<compile_context>
chip_gen: v7x
topology: tpu7x:2x2x1
jax: 0.10.2.dev20260603
libtpu: 0.0.44.dev20260713+nightly
codegen_flags: <defaults>
</compile_context>

<pallas_src>
import functools

import jax
import jax.numpy as jnp
from jax import lax
from jax.experimental import pallas as pl
from jax.experimental.pallas import tpu as pltpu
from jax.experimental.pallas import tpu_sc as plsc

_N = 20000
_K = 1000
_KP = 1024
_D = 4
_SCORE_THRESH = 0.05
_NMS_THRESH = 0.5

_info = plsc.get_sparse_core_info()
_NC, _NS, _L = _info.num_cores, _info.num_subcores, _info.num_lanes
_NW = _NC * _NS
_BPW = _KP // _NW


def _gather_kernel(table_hbm, idx_hbm, out_hbm, idx_v, rows_v, sem):
    wid = lax.axis_index("s") * _NC + lax.axis_index("c")
    base = wid * _BPW
    pltpu.sync_copy(idx_hbm.at[pl.ds(base, _BPW)], idx_v)
    pltpu.async_copy(table_hbm.at[idx_v], rows_v, sem).wait()
    pltpu.sync_copy(rows_v, out_hbm.at[pl.ds(base, _BPW)])


def _run_gather(table, idx):
    mesh = plsc.VectorSubcoreMesh(core_axis_name="c", subcore_axis_name="s")
    f = functools.partial(
        pl.kernel,
        mesh=mesh,
        compiler_params=pltpu.CompilerParams(use_tc_tiling_on_sc=False),
        out_type=jax.ShapeDtypeStruct((_KP, _D), jnp.float32),
        scratch_types=[
            pltpu.VMEM((_BPW,), jnp.int32),
            pltpu.VMEM((_BPW, _D), jnp.float32),
            pltpu.SemaphoreType.DMA,
        ],
    )(_gather_kernel)
    return f(table, idx)


def _nms_kernel(ts_ref, x1_ref, y1_ref, x2_ref, y2_ref,
                os_ref, ox1_ref, oy1_ref, ox2_ref, oy2_ref):
    ts = ts_ref[...]
    x1 = x1_ref[...]
    y1 = y1_ref[...]
    x2 = x2_ref[...]
    y2 = y2_ref[...]

    areas = jnp.maximum(x2 - x1, 0.0) * jnp.maximum(y2 - y1, 0.0)
    xx1 = jnp.maximum(x1[:, None], x1[None, :])
    yy1 = jnp.maximum(y1[:, None], y1[None, :])
    xx2 = jnp.minimum(x2[:, None], x2[None, :])
    yy2 = jnp.minimum(y2[:, None], y2[None, :])
    inter = jnp.maximum(xx2 - xx1, 0.0) * jnp.maximum(yy2 - yy1, 0.0)
    union = areas[:, None] + areas[None, :] - inter
    iou = inter / jnp.maximum(union, 1e-9)

    idx = jax.lax.broadcasted_iota(jnp.int32, (_KP, _KP), 0)
    jdx = jax.lax.broadcasted_iota(jnp.int32, (_KP, _KP), 1)
    m = jnp.where((iou > _NMS_THRESH) & (jdx > idx), 1.0, 0.0)

    def cond(carry):
        _, changed, it = carry
        return changed & (it < _KP + 1)

    def body(carry):
        keep, _, it = carry
        sup = jax.lax.dot_general(
            keep.reshape(1, _KP), m, (((1,), (0,)), ((), ())),
            preferred_element_type=jnp.float32).reshape(_KP)
        new_keep = jnp.where(sup > 0.0, 0.0, 1.0)
        changed = jnp.any(new_keep != keep)
        return new_keep, changed, it + 1

    keep0 = jnp.ones((_KP,), jnp.float32)
    keep, _, _ = jax.lax.while_loop(cond, body, (keep0, jnp.bool_(True),
                                                 jnp.int32(0)))

    final = (keep > 0.0) & (ts > _SCORE_THRESH)
    os_ref[...] = jnp.where(final, ts, 0.0)
    ox1_ref[...] = jnp.where(final, x1, 0.0)
    oy1_ref[...] = jnp.where(final, y1, 0.0)
    ox2_ref[...] = jnp.where(final, x2, 0.0)
    oy2_ref[...] = jnp.where(final, y2, 0.0)


def _run_nms(ts, x1, y1, x2, y2):
    return pl.pallas_call(
        _nms_kernel,
        out_shape=tuple(jax.ShapeDtypeStruct((_KP,), jnp.float32)
                        for _ in range(5)),
    )(ts, x1, y1, x2, y2)


def kernel(boxes, scores):
    valid = scores > _SCORE_THRESH
    scores_m = jnp.where(valid, scores, -1.0)
    top_scores, top_idx = jax.lax.top_k(scores_m, _K)

    pad_idx = jnp.arange(_KP - _K, dtype=jnp.int32)
    idx = jnp.concatenate([top_idx.astype(jnp.int32), pad_idx])
    tb = _run_gather(boxes, idx)

    ts = jnp.pad(top_scores, (0, _KP - _K), constant_values=-1.0)
    os_, ox1, oy1, ox2, oy2 = _run_nms(ts, tb[:, 0], tb[:, 1],
                                       tb[:, 2], tb[:, 3])
    out = jnp.stack([os_, ox1, oy1, ox2, oy2], axis=1)[:_K]
    return out

# --- scband reference (transcript-rebuilt; emitter-appended) ---
"""Pipeline reference for scband-fast-rnndetector-1434519076866 (READ-ONLY COPY).

The authoritative reference and input builder live on the scoring server;
editing this copy changes nothing except your own understanding.
"""

import jax, jax.numpy as jnp
import numpy as np

N = 20000
K = 1000
SCORE_THRESH = 0.05
NMS_THRESH = 0.5


def setup_inputs(seed: int = 0) -> dict:
    key = jax.random.key(seed)
    k1, k2, k3 = jax.random.split(key, 3)
    xy = jax.random.uniform(k1, (N, 2), dtype=jnp.float32) * 900.0
    wh = jax.random.uniform(k2, (N, 2), dtype=jnp.float32) * 120.0 + 4.0
    boxes = jnp.concatenate([xy, xy + wh], axis=1).astype(jnp.float32)
    scores = jax.random.uniform(k3, (N,), dtype=jnp.float32)
    return {"boxes": boxes, "scores": scores}


def reference(boxes, scores):
    # Score thresholding (score_thresh=0.05), as in FastRNNDetector postprocess
    valid = scores > SCORE_THRESH
    scores_m = jnp.where(valid, scores, -1.0)
    # top-k candidate selection (topk=1000)
    top_scores, top_idx = jax.lax.top_k(scores_m, K)
    top_boxes = jnp.take(boxes, top_idx, axis=0)
    # pairwise IoU among top-k candidates
    x1, y1, x2, y2 = top_boxes[:, 0], top_boxes[:, 1], top_boxes[:, 2], top_boxes[:, 3]
    areas = jnp.maximum(x2 - x1, 0.0) * jnp.maximum(y2 - y1, 0.0)
    xx1 = jnp.maximum(x1[:, None], x1[None, :])
    yy1 = jnp.maximum(y1[:, None], y1[None, :])
    xx2 = jnp.minimum(x2[:, None], x2[None, :])
    yy2 = jnp.minimum(y2[:, None], y2[None, :])
    inter = jnp.maximum(xx2 - xx1, 0.0) * jnp.maximum(yy2 - yy1, 0.0)
    union = areas[:, None] + areas[None, :] - inter
    iou = inter / jnp.maximum(union, 1e-9)
    suppress = iou > NMS_THRESH
    idxs = jnp.arange(K)
    # greedy NMS: boxes already sorted by score desc via top_k
    def body(i, keep):
        sup = suppress[i] & (idxs > i) & keep[i]
        return keep & (~sup)
    keep = jax.lax.fori_loop(0, K, body, jnp.ones((K,), dtype=bool))
    keep = keep & (top_scores > SCORE_THRESH)
    out_scores = jnp.where(keep, top_scores, 0.0)
    out_boxes = jnp.where(keep[:, None], top_boxes, 0.0)
    # fixed-size detection output: [score, x1, y1, x2, y2] per kept slot
    return jnp.concatenate([out_scores[:, None], out_boxes], axis=1)

if __name__ == "__main__":
    import jax
    _d = setup_inputs()
    print(jax.jit(kernel)(*tuple(_d.values())))

</pallas_src>

<mosaic_0001>
#map = affine_map<(d0, d1) -> (0, 0)>
#map1 = affine_map<(d0, d1) -> (0)>
module attributes {stable_mosaic.version = 14 : i64} {
  func.func @_gather_kernel(%arg0: i32, %arg1: i32, %arg2: memref<20000x4xf32, #tpu.memory_space<hbm>>, %arg3: memref<1024xi32, #tpu.memory_space<hbm>>, %arg4: memref<1024x4xf32, #tpu.memory_space<hbm>>, %arg5: memref<32xi32, #tpu.memory_space<vmem>>, %arg6: memref<32x4xf32, #tpu.memory_space<vmem>>, %arg7: memref<!tpu.dma_semaphore, #tpu.memory_space<semaphore_mem>>) attributes {dimension_semantics = [#tpu.dimension_semantics<core_parallel>, #tpu.dimension_semantics<subcore_parallel>], iteration_bounds = array<i64: 2, 16>, scalar_prefetch = 0 : i64, scratch_operands = 3 : i64, tpu.core_type = #tpu.core_type<sc_vector_subcore>, window_params = [{transform_indices = #map}, {transform_indices = #map1}, {transform_indices = #map}]} {
    %mul3A = arith.constant 2 : i32
    %mul3A_0 = arith.muli %arg1, %mul3A : i32
    %add3A = arith.addi %mul3A_0, %arg0 : i32
    %mul3A_1 = arith.constant 32 : i32
    %mul3A_2 = arith.muli %add3A, %mul3A_1 : i32
    "tpu.region"() ({
      %run_scoped3A = tpu.sem_alloc : memref<!tpu.dma_semaphore, #tpu.memory_space<semaphore_mem>>
      %dma_start3A_7 = tpu.memref_slice %arg3[%mul3A_2] : memref<1024xi32, #tpu.memory_space<hbm>> -> memref<32xi32, #tpu.memory_space<hbm>>
      %dma_start3A_8 = tpu.memref_slice %arg3[%mul3A_2] : memref<1024xi32, #tpu.memory_space<hbm>> -> memref<32xi32, #tpu.memory_space<hbm>>
      tpu.enqueue_dma source(%dma_start3A_8 : memref<32xi32, #tpu.memory_space<hbm>>) target(%arg5 : memref<32xi32, #tpu.memory_space<vmem>>) target_semaphore(%run_scoped3A : memref<!tpu.dma_semaphore, #tpu.memory_space<semaphore_mem>>)
      %dma_wait3A_9 = tpu.memref_slice %arg3[%mul3A_2] : memref<1024xi32, #tpu.memory_space<hbm>> -> memref<32xi32, #tpu.memory_space<hbm>>
      %dma_wait3A_10 = tpu.memref_slice %arg3[%mul3A_2] : memref<1024xi32, #tpu.memory_space<hbm>> -> memref<32xi32, #tpu.memory_space<hbm>>
      tpu.wait_dma2 semaphore(%run_scoped3A : memref<!tpu.dma_semaphore, #tpu.memory_space<semaphore_mem>>) src(%dma_wait3A_10 : memref<32xi32, #tpu.memory_space<hbm>>) dst(%arg5 : memref<32xi32, #tpu.memory_space<vmem>>)
      tpu.yield
    }) : () -> ()
    %dma_start3A = arith.constant 0 : i32
    %dma_start3A_3 = arith.constant 0 : i32
    %dma_start3A_4 = tpu.memref_slice %arg2[%dma_start3A, %dma_start3A_3] : memref<20000x4xf32, #tpu.memory_space<hbm>> -> memref<20000x4xf32, #tpu.memory_space<hbm>>
    tpu.enqueue_indirect_dma source(%dma_start3A_4 : memref<20000x4xf32, #tpu.memory_space<hbm>>) target(%arg6 : memref<32x4xf32, #tpu.memory_space<vmem>>) offsets(%arg5 : memref<32xi32, #tpu.memory_space<vmem>>) semaphore(%arg7 : memref<!tpu.dma_semaphore, #tpu.memory_space<semaphore_mem>>)
    %dma_wait3A = arith.constant 0 : i32
    %dma_wait3A_5 = arith.constant 0 : i32
    %dma_wait3A_6 = tpu.memref_slice %arg2[%dma_wait3A, %dma_wait3A_5] : memref<20000x4xf32, #tpu.memory_space<hbm>> -> memref<20000x4xf32, #tpu.memory_space<hbm>>
    tpu.wait_indirect_dma semaphore(%arg7 : memref<!tpu.dma_semaphore, #tpu.memory_space<semaphore_mem>>) src(%dma_wait3A_6 : memref<20000x4xf32, #tpu.memory_space<hbm>>) dst(%arg6 : memref<32x4xf32, #tpu.memory_space<vmem>>)
    "tpu.region"() ({
      %run_scoped3A = tpu.sem_alloc : memref<!tpu.dma_semaphore, #tpu.memory_space<semaphore_mem>>
      %dma_start3A_7 = arith.constant 0 : i32
      %dma_start3A_8 = tpu.memref_slice %arg4[%mul3A_2, %dma_start3A_7] : memref<1024x4xf32, #tpu.memory_space<hbm>> -> memref<32x4xf32, #tpu.memory_space<hbm>>
      %dma_start3A_9 = arith.constant 0 : i32
      %dma_start3A_10 = tpu.memref_slice %arg4[%mul3A_2, %dma_start3A_9] : memref<1024x4xf32, #tpu.memory_space<hbm>> -> memref<32x4xf32, #tpu.memory_space<hbm>>
      tpu.enqueue_dma source(%arg6 : memref<32x4xf32, #tpu.memory_space<vmem>>) target(%dma_start3A_10 : memref<32x4xf32, #tpu.memory_space<hbm>>) target_semaphore(%run_scoped3A : memref<!tpu.dma_semaphore, #tpu.memory_space<semaphore_mem>>)
      %dma_wait3A_11 = arith.constant 0 : i32
      %dma_wait3A_12 = tpu.memref_slice %arg4[%mul3A_2, %dma_wait3A_11] : memref<1024x4xf32, #tpu.memory_space<hbm>> -> memref<32x4xf32, #tpu.memory_space<hbm>>
      %dma_wait3A_13 = arith.constant 0 : i32
      %dma_wait3A_14 = tpu.memref_slice %arg4[%mul3A_2, %dma_wait3A_13] : memref<1024x4xf32, #tpu.memory_space<hbm>> -> memref<32x4xf32, #tpu.memory_space<hbm>>
      tpu.wait_dma2 semaphore(%run_scoped3A : memref<!tpu.dma_semaphore, #tpu.memory_space<semaphore_mem>>) src(%arg6 : memref<32x4xf32, #tpu.memory_space<vmem>>) dst(%dma_wait3A_14 : memref<32x4xf32, #tpu.memory_space<hbm>>)
      tpu.yield
    }) : () -> ()
    return
  }
}

module attributes {stable_mosaic.version = 14 : i64} {
  func.func @_nms_kernel(%arg0: memref<1024xf32, #tpu.memory_space<vmem>>, %arg1: memref<1024xf32, #tpu.memory_space<vmem>>, %arg2: memref<1024xf32, #tpu.memory_space<vmem>>, %arg3: memref<1024xf32, #tpu.memory_space<vmem>>, %arg4: memref<1024xf32, #tpu.memory_space<vmem>>, %arg5: memref<1024xf32, #tpu.memory_space<vmem>>, %arg6: memref<1024xf32, #tpu.memory_space<vmem>>, %arg7: memref<1024xf32, #tpu.memory_space<vmem>>, %arg8: memref<1024xf32, #tpu.memory_space<vmem>>, %arg9: memref<1024xf32, #tpu.memory_space<vmem>>) attributes {dimension_semantics = [], scalar_prefetch = 0 : i64, scratch_operands = 0 : i64, tpu.core_type = #tpu.core_type<tc>} {
    %get3A = arith.constant 0 : index
    %get3A_0 = vector.load %arg0[%get3A] : memref<1024xf32, #tpu.memory_space<vmem>>, vector<1024xf32>
    %get3A_1 = arith.constant 0 : index
    %get3A_2 = vector.load %arg1[%get3A_1] : memref<1024xf32, #tpu.memory_space<vmem>>, vector<1024xf32>
    %get3A_3 = arith.constant 0 : index
    %get3A_4 = vector.load %arg2[%get3A_3] : memref<1024xf32, #tpu.memory_space<vmem>>, vector<1024xf32>
    %get3A_5 = arith.constant 0 : index
    %get3A_6 = vector.load %arg3[%get3A_5] : memref<1024xf32, #tpu.memory_space<vmem>>, vector<1024xf32>
    %get3A_7 = arith.constant 0 : index
    %get3A_8 = vector.load %arg4[%get3A_7] : memref<1024xf32, #tpu.memory_space<vmem>>, vector<1024xf32>
    %sub3A = arith.subf %get3A_6, %get3A_2 : vector<1024xf32>
    %max3A = arith.constant 0.000000e+00 : f32
    %max3A_9 = vector.broadcast %max3A : f32 to vector<1024xf32>
    %max3A_10 = arith.maximumf %sub3A, %max3A_9 : vector<1024xf32>
    %sub3A_11 = arith.subf %get3A_8, %get3A_4 : vector<1024xf32>
    %max3A_12 = arith.constant 0.000000e+00 : f32
    %max3A_13 = vector.broadcast %max3A_12 : f32 to vector<1024xf32>
    %max3A_14 = arith.maximumf %sub3A_11, %max3A_13 : vector<1024xf32>
    %mul3A = arith.mulf %max3A_10, %max3A_14 : vector<1024xf32>
    %broadcast_in_dim3A = vector.shape_cast %get3A_2 : vector<1024xf32> to vector<1024x1xf32>
    %broadcast_in_dim3A_15 = vector.shape_cast %get3A_2 : vector<1024xf32> to vector<1x1024xf32>
    %max3A_16 = vector.broadcast %broadcast_in_dim3A : vector<1024x1xf32> to vector<1024x1024xf32>
    %max3A_17 = vector.broadcast %broadcast_in_dim3A_15 : vector<1x1024xf32> to vector<1024x1024xf32>
    %max3A_18 = arith.maximumf %max3A_16, %max3A_17 : vector<1024x1024xf32>
    %broadcast_in_dim3A_19 = vector.shape_cast %get3A_4 : vector<1024xf32> to vector<1024x1xf32>
    %broadcast_in_dim3A_20 = vector.shape_cast %get3A_4 : vector<1024xf32> to vector<1x1024xf32>
    %max3A_21 = vector.broadcast %broadcast_in_dim3A_19 : vector<1024x1xf32> to vector<1024x1024xf32>
    %max3A_22 = vector.broadcast %broadcast_in_dim3A_20 : vector<1x1024xf32> to vector<1024x1024xf32>
    %max3A_23 = arith.maximumf %max3A_21, %max3A_22 : vector<1024x1024xf32>
    %broadcast_in_dim3A_24 = vector.shape_cast %get3A_6 : vector<1024xf32> to vector<1024x1xf32>
    %broadcast_in_dim3A_25 = vector.shape_cast %get3A_6 : vector<1024xf32> to vector<1x1024xf32>
    %min3A = vector.broadcast %broadcast_in_dim3A_24 : vector<1024x1xf32> to vector<1024x1024xf32>
    %min3A_26 = vector.broadcast %broadcast_in_dim3A_25 : vector<1x1024xf32> to vector<1024x1024xf32>
    %min3A_27 = arith.minimumf %min3A, %min3A_26 : vector<1024x1024xf32>
    %broadcast_in_dim3A_28 = vector.shape_cast %get3A_8 : vector<1024xf32> to vector<1024x1xf32>
    %broadcast_in_dim3A_29 = vector.shape_cast %get3A_8 : vector<1024xf32> to vector<1x1024xf32>
    %min3A_30 = vector.broadcast %broadcast_in_dim3A_28 : vector<1024x1xf32> to vector<1024x1024xf32>
    %min3A_31 = vector.broadcast %broadcast_in_dim3A_29 : vector<1x1024xf32> to vector<1024x1024xf32>
    %min3A_32 = arith.minimumf %min3A_30, %min3A_31 : vector<1024x1024xf32>
    %sub3A_33 = arith.subf %min3A_27, %max3A_18 : vector<1024x1024xf32>
    %max3A_34 = arith.constant 0.000000e+00 : f32
    %max3A_35 = vector.broadcast %max3A_34 : f32 to vector<1024x1024xf32>
    %max3A_36 = arith.maximumf %sub3A_33, %max3A_35 : vector<1024x1024xf32>
    %sub3A_37 = arith.subf %min3A_32, %max3A_23 : vector<1024x1024xf32>
    %max3A_38 = arith.constant 0.000000e+00 : f32
    %max3A_39 = vector.broadcast %max3A_38 : f32 to vector<1024x1024xf32>
    %max3A_40 = arith.maximumf %sub3A_37, %max3A_39 : vector<1024x1024xf32>
    %mul3A_41 = arith.mulf %max3A_36, %max3A_40 : vector<1024x1024xf32>
    %broadcast_in_dim3A_42 = vector.shape_cast %mul3A : vector<1024xf32> to vector<1024x1xf32>
    %broadcast_in_dim3A_43 = vector.shape_cast %mul3A : vector<1024xf32> to vector<1x1024xf32>
    %add3A = vector.broadcast %broadcast_in_dim3A_42 : vector<1024x1xf32> to vector<1024x1024xf32>
    %add3A_44 = vector.broadcast %broadcast_in_dim3A_43 : vector<1x1024xf32> to vector<1024x1024xf32>
    %add3A_45 = arith.addf %add3A, %add3A_44 : vector<1024x1024xf32>
    %sub3A_46 = arith.subf %add3A_45, %mul3A_41 : vector<1024x1024xf32>
    %max3A_47 = arith.constant 9.99999971E-10 : f32
    %max3A_48 = vector.broadcast %max3A_47 : f32 to vector<1024x1024xf32>
    %max3A_49 = arith.maximumf %sub3A_46, %max3A_48 : vector<1024x1024xf32>
    %div3A = arith.divf %mul3A_41, %max3A_49 : vector<1024x1024xf32>
    %iota3A = tpu.iota {dimensions = array<i32: 0>} : vector<1024x1024xi32>
    %iota3A_50 = tpu.iota {dimensions = array<i32: 1>} : vector<1024x1024xi32>
    %gt3A = arith.constant 5.000000e-01 : f32
    %gt3A_51 = vector.broadcast %gt3A : f32 to vector<1024x1024xf32>
    %gt3A_52 = arith.cmpf ogt, %div3A, %gt3A_51 : vector<1024x1024xf32>
    %gt3A_53 = arith.cmpi sgt, %iota3A_50, %iota3A : vector<1024x1024xi32>
    %and3A = arith.andi %gt3A_52, %gt3A_53 : vector<1024x1024xi1>
    %jit3A = arith.constant 1.000000e+00 : f32
    %jit3A_54 = arith.constant 0.000000e+00 : f32
    %broadcast_in_dim3A_55 = vector.broadcast %jit3A : f32 to vector<1024x1024xf32>
    %broadcast_in_dim3A_56 = vector.broadcast %jit3A_54 : f32 to vector<1024x1024xf32>
    %select_n3A = arith.select %and3A, %broadcast_in_dim3A_55, %broadcast_in_dim3A_56 : vector<1024x1024xi1>, vector<1024x1024xf32>
    %broadcast_in_dim3A_57 = arith.constant 1.000000e+00 : f32
    %broadcast_in_dim3A_58 = vector.broadcast %broadcast_in_dim3A_57 : f32 to vector<1024xf32>
    %while3A = arith.constant true
    %while3A_59 = arith.constant 0 : i32
    %while3A_60:3 = scf.while (%while3A_92 = %broadcast_in_dim3A_58, %while3A_93 = %while3A, %while3A_94 = %while3A_59) : (vector<1024xf32>, i1, i32) -> (vector<1024xf32>, i1, i32) {
      %lt3A = arith.constant 1025 : i32
      %lt3A_95 = arith.cmpi slt, %while3A_94, %lt3A : i32
      %and3A_96 = arith.andi %while3A_93, %lt3A_95 : i1
      scf.condition(%and3A_96) %while3A_92, %while3A_93, %while3A_94 : vector<1024xf32>, i1, i32
    } do {
    ^bb0(%while3A_92: vector<1024xf32>, %while3A_93: i1, %while3A_94: i32):
      %reshape3A = vector.shape_cast %while3A_92 : vector<1024xf32> to vector<1x1024xf32>
      %dot_general3A = arith.constant dense<0.000000e+00> : vector<1x1024xf32>
      %dot_general3A_95 = tpu.matmul %reshape3A, %select_n3A, %dot_general3A {dimension_numbers = #tpu.dot_dimension_numbers<[1], [0], [0], [1], [0, 0, 1, 1], [], []>, transpose_lhs_hint = false} : vector<1x1024xf32>, vector<1024x1024xf32>, vector<1x1024xf32> -> vector<1x1024xf32>
      %reshape3A_96 = vector.shape_cast %dot_general3A_95 : vector<1x1024xf32> to vector<1024xf32>
      %gt3A_97 = arith.constant 0.000000e+00 : f32
      %gt3A_98 = vector.broadcast %gt3A_97 : f32 to vector<1024xf32>
      %gt3A_99 = arith.cmpf ogt, %reshape3A_96, %gt3A_98 : vector<1024xf32>
      %jit3A_100 = arith.constant 0.000000e+00 : f32
      %jit3A_101 = arith.constant 1.000000e+00 : f32
      %broadcast_in_dim3A_102 = vector.broadcast %jit3A_100 : f32 to vector<1024xf32>
      %broadcast_in_dim3A_103 = vector.broadcast %jit3A_101 : f32 to vector<1024xf32>
      %select_n3A_104 = arith.select %gt3A_99, %broadcast_in_dim3A_102, %broadcast_in_dim3A_103 : vector<1024xi1>, vector<1024xf32>
      %ne3A = arith.cmpf one, %select_n3A_104, %while3A_92 : vector<1024xf32>
      %reduce_or3A = arith.constant 1.000000e+00 : f32
      %reduce_or3A_105 = arith.constant 0.000000e+00 : f32
      %reduce_or3A_106 = vector.broadcast %reduce_or3A : f32 to vector<1024xf32>
      %reduce_or3A_107 = vector.broadcast %reduce_or3A_105 : f32 to vector<1024xf32>
      %reduce_or3A_108 = arith.select %ne3A, %reduce_or3A_106, %reduce_or3A_107 : vector<1024xi1>, vector<1024xf32>
      %reduce_or3A_109 = vector.shape_cast %reduce_or3A_108 : vector<1024xf32> to vector<1x1024xf32>
      %reduce_or3A_110 = arith.constant dense<0xFF800000> : vector<1xf32>
      %reduce_or3A_111 = vector.multi_reduction <maximumf>, %reduce_or3A_109, %reduce_or3A_110 [1] : vector<1x1024xf32> to vector<1xf32>
      %reduce_or3A_112 = vector.shape_cast %reduce_or3A_111 : vector<1xf32> to vector<1x1xf32>
      %reduce_or3A_113 = vector.extract %reduce_or3A_112[0, 0] : f32 from vector<1x1xf32>
      %reduce_or3A_114 = arith.constant 0.000000e+00 : f32
      %reduce_or3A_115 = arith.cmpf ogt, %reduce_or3A_113, %reduce_or3A_114 : f32
      %add3A_116 = arith.constant 1 : i32
      %add3A_117 = arith.addi %while3A_94, %add3A_116 : i32
      scf.yield %select_n3A_104, %reduce_or3A_115, %add3A_117 : vector<1024xf32>, i1, i32
    }
    %gt3A_61 = arith.constant 0.000000e+00 : f32
    %gt3A_62 = vector.broadcast %gt3A_61 : f32 to vector<1024xf32>
    %gt3A_63 = arith.cmpf ogt, %while3A_60#0, %gt3A_62 : vector<1024xf32>
    %gt3A_64 = arith.constant 5.000000e-02 : f32
    %gt3A_65 = vector.broadcast %gt3A_64 : f32 to vector<1024xf32>
    %gt3A_66 = arith.cmpf ogt, %get3A_0, %gt3A_65 : vector<1024xf32>
    %and3A_67 = arith.andi %gt3A_63, %gt3A_66 : vector<1024xi1>
    %jit3A_68 = arith.constant 0.000000e+00 : f32
    %broadcast_in_dim3A_69 = vector.broadcast %jit3A_68 : f32 to vector<1024xf32>
    %select_n3A_70 = arith.select %and3A_67, %get3A_0, %broadcast_in_dim3A_69 : vector<1024xi1>, vector<1024xf32>
    %swap3A = arith.constant 0 : index
    %swap3A_71 = vector.load %arg5[%swap3A] : memref<1024xf32, #tpu.memory_space<vmem>>, vector<1024xf32>
    tpu.vector_store %arg5[%swap3A], %select_n3A_70 {strides = array<i32>} : memref<1024xf32, #tpu.memory_space<vmem>>, vector<1024xf32>,
    %jit3A_72 = arith.constant 0.000000e+00 : f32
    %broadcast_in_dim3A_73 = vector.broadcast %jit3A_72 : f32 to vector<1024xf32>
    %select_n3A_74 = arith.select %and3A_67, %get3A_2, %broadcast_in_dim3A_73 : vector<1024xi1>, vector<1024xf32>
    %swap3A_75 = arith.constant 0 : index
    %swap3A_76 = vector.load %arg6[%swap3A_75] : memref<1024xf32, #tpu.memory_space<vmem>>, vector<1024xf32>
    tpu.vector_store %arg6[%swap3A_75], %select_n3A_74 {strides = array<i32>} : memref<1024xf32, #tpu.memory_space<vmem>>, vector<1024xf32>,
    %jit3A_77 = arith.constant 0.000000e+00 : f32
    %broadcast_in_dim3A_78 = vector.broadcast %jit3A_77 : f32 to vector<1024xf32>
    %select_n3A_79 = arith.select %and3A_67, %get3A_4, %broadcast_in_dim3A_78 : vector<1024xi1>, vector<1024xf32>
    %swap3A_80 = arith.constant 0 : index
    %swap3A_81 = vector.load %arg7[%swap3A_80] : memref<1024xf32, #tpu.memory_space<vmem>>, vector<1024xf32>
    tpu.vector_store %arg7[%swap3A_80], %select_n3A_79 {strides = array<i32>} : memref<1024xf32, #tpu.memory_space<vmem>>, vector<1024xf32>,
    %jit3A_82 = arith.constant 0.000000e+00 : f32
    %broadcast_in_dim3A_83 = vector.broadcast %jit3A_82 : f32 to vector<1024xf32>
    %select_n3A_84 = arith.select %and3A_67, %get3A_6, %broadcast_in_dim3A_83 : vector<1024xi1>, vector<1024xf32>
    %swap3A_85 = arith.constant 0 : index
    %swap3A_86 = vector.load %arg8[%swap3A_85] : memref<1024xf32, #tpu.memory_space<vmem>>, vector<1024xf32>
    tpu.vector_store %arg8[%swap3A_85], %select_n3A_84 {strides = array<i32>} : memref<1024xf32, #tpu.memory_space<vmem>>, vector<1024xf32>,
    %jit3A_87 = arith.constant 0.000000e+00 : f32
    %broadcast_in_dim3A_88 = vector.broadcast %jit3A_87 : f32 to vector<1024xf32>
    %select_n3A_89 = arith.select %and3A_67, %get3A_8, %broadcast_in_dim3A_88 : vector<1024xi1>, vector<1024xf32>
    %swap3A_90 = arith.constant 0 : index
    %swap3A_91 = vector.load %arg9[%swap3A_90] : memref<1024xf32, #tpu.memory_space<vmem>>, vector<1024xf32>
    tpu.vector_store %arg9[%swap3A_90], %select_n3A_89 {strides = array<i32>} : memref<1024xf32, #tpu.memory_space<vmem>>, vector<1024xf32>,
    return
  }
}

</mosaic_0001>

<sc_bundles>
// kernel: kernel.4.cloned.1.call-start
scs
__scs_entry_jumppad:
0x0: {  	(pc) =	sbr.rel $0x88, $3  }
0x1: {  	(tag) =	ssettag $0x0;
	lr =	simm.s32 $0x1  }
0x2: {  	[smem:$0x3F9F] =	sst lr;
	_ =	strace $0xD0000000  }
0x3: {  	_ = 	snop  }
0x4: {  	_ = 	snop  }
0x5: {  	_ = 	snop  }
0x6: {  	_ = 	snop  }
0x7: {  	_ = 	snop  }
__scs_overlays_trampoline_lowered:
0x8: {  	[smem:$0x3FAE] =	sst s0  }
0x9: {  	[smem:$0x3FAF] =	sst s1  }
0xa: {  	[smem:$0x3FB0] =	sst s2  }
0xb: {  	[smem:$0x3FB1] =	sst s3  }
0xc: {  	[smem:$0x3FB2] =	sst s4  }
0xd: {  	[smem:$0x3FB3] =	sst s5  }
0xe: {  	[smem:$0x3FB4] =	sst s6  }
0xf: {  	[smem:$0x3FB5] =	sst s7  }
0x10: {  	[smem:$0x3FB6] =	sst s8  }
0x11: {  	[smem:$0x3FB7] =	sst s9;
	s0 =	simm.s32 @!p0 $0x0  }
0x12: {  	s1 =	sld [smem:$0x3F9D];
	s0 =	simm.s32 @p0 $0x1  }
0x13: {  	[smem:$0x3FB8] =	sst s0;
	s0 =	simm.s32 @!p1 $0x0  }
0x14: {  	s2 =	sld [smem:$0x3F9C];
	s0 =	simm.s32 @p1 $0x1  }
0x15: {  	[smem:$0x3FB9] =	sst s0;
	s0 =	simm.s32 @!p2 $0x0  }
0x16: {  	s3 =	sld [smem:$0x3FDB];
	s0 =	simm.s32 @p2 $0x1  }
0x17: {  	s4 =	simm.s32 $0x1BF5;
	[smem:$0x3FBB] =	sst s0  }
0x18: {  	s0 =	sld [smem:$0x3F9E];
	_ =	swait.ge [sflag:s4], $0x0  }
0x19: {  	s7 =	sld [smem:$0x3F9F]  }
0x1a: {  	s8 =	sadd.s32 $0xFFFFE003, lr  }
0x1b: {  	s9 =	sadd.s32 $0xFFFFFEF7, lr;
	s5 =	simm.s32 $0xFFFFFFFF;
	p2 =	slt.u32 s8, $0xFFFFF086  }
0x1c: {  	p1 =	slt.u32 s9, $0xF7A;
	s5 =	simm.s32 @!p2 $0x0  }
0x1d: {  	s5 =	simm.s32 @p1 $0x1;
	p0 =	seq.s32 s7, s2  }
0x1e: {  	s7 =	smul.u32 @!p0 $0xF7A, s2;
	p2 =	seq.s32 @!p0 s5, $0x0  }
0x1f: {  	s9 =	smul.u32 $0xF7A, s1;
	s8 =	simm.s32 @!p0 $0x1BF5;
	p2 =	por !p2, p0  }
0x20: {  	[sflag:s8] =	ssyncset.s32 @!p0 $0xFFFFF086;
	s6 =	sadd.s32 @!p0 s3, s7;
	s7 =	simm.s32 @!p0 $0x108  }
0x21: {  	s3 =	sadd.s32 s3, s9;
	s6 =	sadd.s32 @!p0 $0x88, s6;
	s7 =	simm.s32 @p2 $0x1082  }
0x22: {  	[simem:s7], [sflag:s8] =	dma.local @!p0 [hbm:s6], $0xF7A  }
0x23: {  	s9 =	sor.u32 $0xD0000000, s2;
	s6 =	simm.s32 $0x108;
	_ =	swait.ge @!p0 [sflag:s8], $0x0  }
0x24: {  	s3 =	sadd.s32 $0x88, s3;
	s6 =	simm.s32 @!p1 $0x1082;
	[sflag:s4] =	ssyncset.s32 $0xFFFFF086  }
0x25: {  	[simem:s6], [sflag:s4] =	dma.local [hbm:s3], $0xF7A  }
0x26: {  	[smem:$0x3F9F] =	sst s1;
	(tag) =	ssettag s2;
	_ =	strace s9  }
0x27: {  	s1 =	sld [smem:$0x3FAF]  }
0x28: {  	s2 =	sld [smem:$0x3FB0]  }
0x29: {  	s4 =	sld [smem:$0x3FB2]  }
0x2a: {  	p0 =	seq.s32 s5, $0x0;
	s5 =	sld [smem:$0x3FB3]  }
0x2b: {  	s6 =	sld [smem:$0x3FB4]  }
0x2c: {  	s7 =	sld [smem:$0x3FB5]  }
0x2d: {  	s3 =	simm.s32 $0x108;
	s8 =	sld [smem:$0x3FB6]  }
0x2e: {  	s3 =	simm.s32 @!p0 $0x1082;
	s9 =	sld [smem:$0x3FB7]  }
0x2f: {  	lr =	sadd.s32 s0, s3;
	s0 =	sld [smem:$0x3FAE]  }
0x30: {  	s3 =	sld [smem:$0x3FB1]  }
0x31: {  	[smem:$0x3FBA] =	sst s10  }
0x32: {  	s10 =	sld [smem:$0x3FB8];
	_ =	sdelay $0x3  }
0x33: {  	p0 =	seq.s32 s10, $0x1;
	s10 =	sld [smem:$0x3FBA];
	_ =	sdelay $0x3  }
0x34: {  	[smem:$0x3FBA] =	sst s10  }
0x35: {  	s10 =	sld [smem:$0x3FB9];
	_ =	sdelay $0x3  }
0x36: {  	p1 =	seq.s32 s10, $0x1;
	s10 =	sld [smem:$0x3FBA];
	_ =	sdelay $0x3  }
0x37: {  	[smem:$0x3FBA] =	sst s10  }
0x38: {  	s10 =	sld [smem:$0x3FBB]  }
0x39: {  	_ = 	snop;
	(pc) =	sbr.ind lr, $3  }
0x3a: {  	_ = 	snop  }
0x3b: {  	_ = 	snop  }
0x3c: {  	p2 =	seq.s32 s10, $0x1;
	s10 =	sld [smem:$0x3FBA]  }
0x3d: {  	_ =	shalt  }
0x3e: {  	_ =	shalt  }
0x3f: {  	_ =	shalt  }
0x40: {  	_ =	shalt  }
0x41: {  	_ =	shalt  }
0x42: {  	_ =	shalt  }
0x43: {  	_ =	shalt  }
0x44: {  	_ =	shalt  }
0x45: {  	_ =	shalt  }
0x46: {  	_ =	shalt  }
0x47: {  	_ =	shalt  }
0x48: {  	_ =	shalt  }
0x49: {  	_ =	shalt  }
0x4a: {  	_ =	shalt  }
0x4b: {  	_ =	shalt  }
0x4c: {  	_ =	shalt  }
0x4d: {  	_ =	shalt  }
0x4e: {  	_ =	shalt  }
0x4f: {  	_ =	shalt  }
0x50: {  	_ =	shalt  }
0x51: {  	_ =	shalt  }
0x52: {  	_ =	shalt  }
0x53: {  	_ =	shalt  }
0x54: {  	_ =	shalt  }
0x55: {  	_ =	shalt  }
0x56: {  	_ =	shalt  }
0x57: {  	_ =	shalt  }
0x58: {  	_ =	shalt  }
0x59: {  	_ =	shalt  }
0x5a: {  	_ =	shalt  }
0x5b: {  	_ =	shalt  }
0x5c: {  	_ =	shalt  }
0x5d: {  	_ =	shalt  }
0x5e: {  	_ =	shalt  }
0x5f: {  	_ =	shalt  }
0x60: {  	_ =	shalt  }
0x61: {  	_ =	shalt  }
0x62: {  	_ =	shalt  }
0x63: {  	_ =	shalt  }
0x64: {  	_ =	shalt  }
0x65: {  	_ =	shalt  }
0x66: {  	_ =	shalt  }
0x67: {  	_ =	shalt  }
0x68: {  	_ =	shalt  }
0x69: {  	_ =	shalt  }
0x6a: {  	_ =	shalt  }
0x6b: {  	_ =	shalt  }
0x6c: {  	_ =	shalt  }
0x6d: {  	_ =	shalt  }
0x6e: {  	_ =	shalt  }
0x6f: {  	_ =	shalt  }
0x70: {  	_ =	shalt  }
0x71: {  	_ =	shalt  }
0x72: {  	_ =	shalt  }
0x73: {  	_ =	shalt  }
0x74: {  	_ =	shalt  }
0x75: {  	_ =	shalt  }
0x76: {  	_ =	shalt  }
0x77: {  	_ =	shalt  }
0x78: {  	_ =	shalt  }
0x79: {  	_ =	shalt  }
0x7a: {  	_ =	shalt  }
0x7b: {  	_ =	shalt  }
0x7c: {  	_ =	shalt  }
0x7d: {  	_ =	shalt  }
0x7e: {  	_ =	shalt  }
0x7f: {  	_ =	shalt  }
0x80: {  	_ =	shalt  }
0x81: {  	_ =	shalt  }
0x82: {  	_ =	shalt  }
0x83: {  	_ =	shalt  }
0x84: {  	_ =	shalt  }
0x85: {  	_ =	shalt  }
0x86: {  	_ =	shalt  }
0x87: {  	_ =	shalt  }
.Lfunc_end0:
.L_simem_size_0:
called_computation_lowered:
.L_overlay_start_0:
0x88: {  	s2 =	sld [smem:$0x3FD9]  }
0x89: {  	s3 =	sld [smem:$0x3FFE];
	_ =	sdelay $0x1  }
0x8a: {  	s1 =	srdreg.scid  }
0x8b: {  	s0 =	sand.u32 $0x1, s1  }
0x8c: {  	s17 =	sshll.u32 s0, $0xA;
	s2 =	sadd.s32 s3, s2  }
0x8d: {  	s2 =	sadd.s32 s2, s17  }
0x8e: {  	[smem:$0x3FC6] =	sst s2  }
0x8f: {  	_ = 	snop  }
0x90: {  	s2 =	sld [smem:$0x3FD0];
	(tm) =	ssettm $0x1  }
0x91: {  	s18 =	sld [smem:$0x3FFB];
	_ =	sdelay $0x3  }
0x92: {  	_ =	strace s18  }
0x93: {  	s3 =	sld [smem:$0x3FFC];
	_ =	sdelay $0x3  }
0x94: {  	_ =	strace s3  }
0x95: {  	s3 =	sld [smem:$0x3FFD];
	_ =	sdelay $0x3  }
0x96: {  	_ =	strace s3  }
0x97: {  	_ =	strace $0x8FFFFFFF  }
0x98: {  	s19 =	sld [smem:$0x3FDB];
	_ =	sdelay $0x1  }
0x99: {  	s4 =	simm.s32 $_scs_section_size  }
0x9a: {  	s5 =	simm.s32 $_size__tile_overlayer_lowered;
	s6 =	simm.s32 $_tile_overlayer_lowered  }
0x9b: {  	s22 =	simm.s32 $0x1BFF;
	s21 =	sshll.u32 s6, $0x1;
	s3 =	sadd.s32 s4, s19  }
0x9c: {  	s7 =	simm.s32 $0x0;
	s20 =	sshll.u32 s5, $0x1;
	s5 =	sadd.s32 s21, s3  }
0x9d: {  	[timem:s7], [sflag:s22] =	dma.local [hbm:s5], s20  }
0x9e: {  	_ =	swait.ge [sflag:s22], s20  }
0x9f: {  	s4 =	ssub.s32 $0x0, s20;
	[sflag:s22] =	ssyncset.done $0x0  }
0xa0: {  	[sflag:s22] =	ssyncadd.s32 s4;
	_ =	sdelay $0x1  }
0xa1: {  	s23 =	simm.s32 $0x1B8B  }
0xa2: {  	_ =	swait.ge [sflag:s23], $0x1  }
0xa3: {  	[sflag:s23] =	ssyncset.done $0x0  }
0xa4: {  	s25 =	simm.s32 $0x1B8E;
	s24 =	sld [smem:$0x3FFE];
	[sflag:s23] =	ssyncadd.s32 $0xFFFFFFFF  }
0xa5: {  	s26 =	simm.s32 $execute0_lowered;
	[smem:$0x3FD2] =	sst s25  }
0xa6: {  	s5 =	sshll.u32 s26, $0x1;
	_ =	strace $0x80000046;
	[dreg:$0x1] =	wrdreg $0xFFFFFFFF  }
0xa7: {  	s28 =	simm.s32 $_size_execute0_lowered;
	s3 =	sadd.s32 s3, s5;
	[dreg:$0x0] =	wrdreg $0x0  }
0xa8: {  	s5 =	sshll.u32 s28, $0x1;
	[dreg:$0x2] =	wrdreg s3  }
0xa9: {  	[dreg:$0x3] =	wrdreg s5  }
0xaa: {  	[dreg:$0x4] =	wrdreg $0xC0  }
0xab: {  	_ =	task [dreg:s7], $0x5FFFF  }
0xac: {  	[dreg:$0x1] =	wrdreg $0xFFFFFFFF  }
0xad: {  	[dreg:$0x0] =	wrdreg $0x60  }
0xae: {  	[dreg:$0x2] =	wrdreg s24  }
0xaf: {  	[dreg:$0x3] =	wrdreg s2  }
0xb0: {  	[dreg:$0x4] =	wrdreg $0x9  }
0xb1: {  	_ =	task.clear_ibuf [dreg:s7], $0x5FFFF;
	_ =	strace $0x90000046  }
0xb2: {  	s29 =	simm.s32 $0x9;
	_ =	strace $0x80000048  }
0xb3: {  	_ =	swait.ge [sflag:s29], $0x1  }
0xb4: {  	[sflag:s29] =	ssyncadd.s32 $0xFFFFFFFF  }
0xb5: {  	_ =	strace $0x90000048  }
0xb6: {  	_ =	sfence  }
0xb7: {  	s30 =	sld [smem:$0x0];
	_ =	sdelay $0x2  }
0xb8: {  	s31 =	sshll.u32 s1, $0xD;
	s1 =	sshrl.u32 s1, $0x2  }
0xb9: {  	s3 =	sand.u32 $0x4000, s31;
	s1 =	sadd.s32 s1, s30  }
0xba: {  	s0 =	sor.u32 s3, s0;
	s1 =	sshll.u32 s1, $0x11  }
0xbb: {  	s0 =	sor.u32 s1, s0  }
0xbc: {  	s0 =	sadd.s32 $0x8F2B, s0  }
0xbd: {  	[sflag:s0] =	ssyncadd.remote.s32 $0x1  }
0xbe: {  	_ =	sfence.sel $0xFFFF  }
0xbf: {  	[dreg:$0x0] =	wrdreg $0xFFFFFFFF;
	(pc) =	sbr.abs _section_cstart, $3  }
0xc0: {  	[dreg:$0x1] =	wrdreg $0xFFFFFFFF  }
0xc1: {  	_ =	task.clear_ibuf [dreg:s7], $0x2FFFF;
	_ =	strace $0x9FFFFFFF  }
0xc2: {  	(tm) =	ssettm $0x7FFFFFFF  }
0xc3: {  	_ =	shalt  }
tec
execute0_lowered:
.L_overlay_start_1:
0x0: {  	(tag) =	ssettag $0x1  }
0x1: {  	s1 =	srdreg.scid  }
0x2: {  	s0 =	stileid.u32;
	s6 =	sand.u32 $0x1, s1  }
0x3: {  	s2 =	rddreg [dreg:$0x0];
	s30 =	sshll.u32 s0, $0x6;
	s3 =	sshll.u32 s6, $0x5  }
0x4: {  	s8 =	rddreg [dreg:$0x1];
	s9 =	sor.u32 s3, s30  }
0x5: {  	s1 =	rddreg [dreg:$0x2];
	s3 =	simm.s32 $0x0;
	s4 =	sshrl.u32 s9, $0x3  }
0x6: {  	s10 =	ssub.s32 $0x2, s6;
	[smem:$0x7FF] =	sst s3;
	s4 =	sadd.s32 s4, s2  }
0x7: {  	_ =	strace $0x80000047;
	s5 =	sadd.s32 $0x5000, s4;
	s4 =	simm.s32 $0x2  }
0x8: {  	[tilespmem:s3], [sflag:$0x2] =	stream.linear.gather [hbm4b:s5+s3], $0x20, $0x38;
	[tilespmem:$0x120] =	vst v63  }
0x9: {  	s11 =	sshrl.u32 s10, $0x1;
	_ =	swait.ge [sflag:s4], $0x20  }
0xa: {  	s7 =	simm.s32 $0x1;
	s10 =	ssub.s32 s10, s11;
	[sflag:s4] =	ssyncset.done $0x0  }
0xb: {  	s6 =	simm.s32 $0x20;
	s31 =	smax.u32 s10, $0x1;
	[sflag:s4] =	ssyncadd.s32 $0xFFFFFFE0  }
0xc: {  	[tilespmem:s6], [sflag:$0x1] =	stream.indirect.gather [hbm4b:s2+s6], $0x4, s3, s6, $0xb8;
	[tilespmem:$0x120] =	vst v63  }
0xd: {  	p0 =	sne.s32 s31, $0x1;
	_ =	swait.ge [sflag:s7], $0x80  }
.Ltmp0:
0xe: {  	[sflag:s7] =	ssyncset.done $0x0;
	(pc) =	sbr.rel @!p0 .LBB2_2-.Ltmp0, $4  }
0xf: {  	s8 =	sadd.s32 s8, s9;
	[sflag:s7] =	ssyncadd.s32 $0xFFFFFF80  }
0x10: {  	[hbm4b:s8+s3] =	stream.linear.scatter [tilespmem:s6], [sflag:$0x2], $0x100, $0x38;
	[tilespmem:$0x120] =	vst v63  }
0x11: {  	_ =	swait.ge [sflag:s4], $0x100  }
0x12: {  	s9 =	sadd.s32 $0xFFFFFFFF, s31;
	[sflag:s4] =	ssyncset.done $0x0  }
.LBB2_1:
0x13: {  	p0 =	sne.s32 s9, $0x1;
	s9 =	sadd.s32 $0xFFFFFFFF, s9;
	[sflag:s4] =	ssyncadd.s32 $0xFFFFFF00  }
0x14: {  	[tilespmem:s3], [sflag:$0x2] =	stream.linear.gather [hbm4b:s5+s3], $0x20, $0x38;
	[tilespmem:$0x120] =	vst v63  }
0x15: {  	_ =	swait.ge [sflag:s4], $0x20  }
0x16: {  	[sflag:s4] =	ssyncset.done $0x0  }
0x17: {  	[sflag:s4] =	ssyncadd.s32 $0xFFFFFFE0  }
0x18: {  	[tilespmem:s6], [sflag:$0x1] =	stream.indirect.gather [hbm4b:s2+s6], $0x4, s3, s6, $0xb8;
	[tilespmem:$0x120] =	vst v63  }
0x19: {  	_ =	swait.ge [sflag:s7], $0x80  }
.Ltmp1:
0x1a: {  	[sflag:s7] =	ssyncset.done $0x0;
	(pc) =	sbr.rel @p0 .LBB2_1-.Ltmp1, $4  }
0x1b: {  	[sflag:s7] =	ssyncadd.s32 $0xFFFFFF80  }
0x1c: {  	[hbm4b:s8+s3] =	stream.linear.scatter [tilespmem:s6], [sflag:$0x2], $0x100, $0x38;
	[tilespmem:$0x120] =	vst v63  }
0x1d: {  	_ =	swait.ge [sflag:s4], $0x100  }
0x1e: {  	[sflag:s4] =	ssyncset.done $0x0  }
.LBB2_2:
0x1f: {  	[sflag:s4] =	ssyncadd.s32 $0xFFFFFF00  }
0x20: {  	_ =	sfence.sel $0x180000  }
0x21: {  	[bflag:$0x0] =	sbarrier.arrive $0xFFFF  }
0x22: {  	p0 =	sne.s32 s0, $0x0;
	_ =	strace $0x90000047  }
0x23: {  	s0 =	sadd.s32 @!p0 $0x100000, s1;
	[bflag:$0x2] =	sbarrier.arrive $0xFFFF  }
0x24: {  	[sflag:s0] =	ssyncadd.tile.s32 @!p0 $0x1;
	_ =	shalt  }
.Lfunc_end2:
_tile_overlayer_lowered:
.L_overlay_start_2:
0x25: {  	(tag) =	ssettag $0x2  }
0x26: {  	s0 =	rddreg [dreg:$0x0];
	s2 =	stileid.u32  }
0x27: {  	s1 =	rddreg [dreg:$0x1];
	p0 =	sne.s32 s2, $0x0  }
0x28: {  	s3 =	rddreg [dreg:$0x2];
	[bflag:$0x3] =	sbarrier.arrive $0xFFFF;
	s2 =	simm.s32 @!p0 $0x1C02  }
0x29: {  	[timem:s3], [sflag:s2] =	dma.local @!p0 [hbm:s0], s1  }
0x2a: {  	s0 =	simm.s32 @!p0 $0x2  }
0x2b: {  	_ =	swait.ge @!p0 [sflag:s0], s1  }
0x2c: {  	s1 =	ssub.s32 @!p0 $0x0, s1;
	[sflag:s0] =	ssyncset.done @!p0 $0x0  }
0x2d: {  	[sflag:s0] =	ssyncadd.s32 @!p0 s1  }
0x2e: {  	[bflag:$0x3] =	sbarrier.arrive $0xFFFF  }
0x2f: {  	_ =	shalt  }

</sc_bundles>
